<compile_context>
chip_gen: v7x
topology: tpu7x:2x2x1
jax: 0.10.2.dev20260603
libtpu: 0.0.44.dev20260713+nightly
codegen_flags: <defaults>
</compile_context>

<pallas_src>
import functools

import jax
import jax.numpy as jnp
from jax import lax
from jax.experimental import pallas as pl
from jax.experimental.pallas import tpu as pltpu
from jax.experimental.pallas import tpu_sc as plsc

_NEMB = 4
_NFEATS = 15
_NHIDDEN = 128
_NEWDIM = 3 * _NEMB + _NEMB + _NEMB + _NFEATS
_NTAB = 5
_EPS = 1e-5

_B = 16384
_NW = 32
_CHUNK = _B // _NW
_NCODES = 5 ** 5
_TABW = 32


def _sc_gather_body(ints_hbm, tab_hbm, out_hbm, raw_v, code_v, rows_v, sem):
    wid = lax.axis_index("s") * 2 + lax.axis_index("c")
    base = wid * _CHUNK
    pltpu.sync_copy(ints_hbm.at[:, pl.ds(base, _CHUNK)], raw_v)

    def grp(g, carry):
        sl = pl.ds(g * 16, 16)
        code = (raw_v[0, sl] + 5 * raw_v[1, sl] + 25 * raw_v[2, sl]
                + 125 * raw_v[3, sl] + 625 * raw_v[4, sl])
        code_v[g // 8, pl.ds((g % 8) * 16, 16)] = code
        return carry

    lax.fori_loop(0, _CHUNK // 16, grp, 0)
    for j in range(_CHUNK // 128):
        pltpu.async_copy(tab_hbm.at[code_v.at[j]],
                         rows_v.at[pl.ds(j * 128, 128)], sem).wait()
    pltpu.sync_copy(rows_v, out_hbm.at[pl.ds(base, _CHUNK)])


def _sc_gather(ints_flat, tcomb):
    gather = pl.kernel(
        _sc_gather_body,
        out_type=jax.ShapeDtypeStruct((_B, _TABW), jnp.float32),
        mesh=plsc.VectorSubcoreMesh(core_axis_name="c",
                                    subcore_axis_name="s"),
        scratch_types=[
            pltpu.VMEM((5, _CHUNK), jnp.int32),
            pltpu.VMEM((_CHUNK // 128, 128), jnp.int32),
            pltpu.VMEM((_CHUNK, _TABW), jnp.float32),
            pltpu.SemaphoreType.DMA,
        ],
        compiler_params=pltpu.CompilerParams(use_tc_tiling_on_sc=False),
    )
    return gather(ints_flat, tcomb)


def _board_kernel(embT_ref, featsT_ref, waug_ref, out_ref):
    R = out_ref.shape[0]
    embT = embT_ref[: 4 * _NTAB, :]
    featsT = featsT_ref[...]
    combT = jnp.concatenate([embT, featsT], axis=0)

    mu = jnp.mean(combT, axis=0, keepdims=True)
    xm = combT - mu
    var = jnp.mean(xm * xm, axis=0, keepdims=True)
    rs = lax.rsqrt(var + _EPS)
    norm2 = jnp.concatenate([xm * rs, jnp.ones((1, R), jnp.float32)],
                            axis=0)

    y = lax.dot_general(norm2, waug_ref[...],
                        dimension_numbers=(((0,), (0,)), ((), ())),
                        preferred_element_type=jnp.float32)
    out_ref[...] = jnp.maximum(y, 0.0)


@functools.partial(jax.jit, static_argnames=("block_r",))
def _run(boardInts, boardFeats, twEmb, trEmb, weatherEmb, terrainEmb,
         ln_g, ln_b, W, b, block_r=8192):
    B = boardInts.shape[0]
    featsT = boardFeats.T

    i = jnp.arange(_NCODES)
    v0, v1 = i % 5, (i // 5) % 5
    v2, v3, v4 = (i // 25) % 5, (i // 125) % 5, (i // 625) % 5
    tcomb = jnp.concatenate(
        [twEmb[v0], twEmb[v1], trEmb[v2], weatherEmb[v3], terrainEmb[v4],
         jnp.zeros((_NCODES, _TABW - 4 * _NTAB), jnp.float32)], axis=1)

    emb32 = _sc_gather(boardInts.T, tcomb)
    embT = emb32.T

    waug = jnp.concatenate(
        [ln_g[:, None] * W, (ln_b @ W + b)[None, :]], axis=0)

    grid = (B // block_r,)
    full = lambda shape: pl.BlockSpec(shape, lambda i: (0,) * len(shape))
    return pl.pallas_call(
        _board_kernel,
        grid=grid,
        in_specs=[
            pl.BlockSpec((_TABW, block_r), lambda i: (0, i)),
            pl.BlockSpec((_NFEATS, block_r), lambda i: (0, i)),
            full((_NEWDIM + 1, _NHIDDEN)),
        ],
        out_specs=pl.BlockSpec((block_r, _NHIDDEN), lambda i: (i, 0)),
        out_shape=jax.ShapeDtypeStruct((B, _NHIDDEN), jnp.float32),
    )(embT, featsT, waug)


def kernel(boardInts, boardFeats, twEmb, trEmb, weatherEmb, terrainEmb,
           ln_g, ln_b, W, b):
    return _run(boardInts, boardFeats, twEmb, trEmb, weatherEmb, terrainEmb,
                ln_g, ln_b, W, b)

# --- scband reference (transcript-rebuilt; emitter-appended) ---
"""Pipeline reference for scband-board-encoder-22170621182326 (READ-ONLY COPY).

The authoritative reference and input builder live on the scoring server;
editing this copy changes nothing except your own understanding.
"""

import jax, jax.numpy as jnp
import numpy as np

NTURNS = 5
NWEATHERS = 5
NTERRAINS = 5
NEMB = 4
NFEATS = 15
NHIDDEN = 128
NEWDIM = NEMB * 3 + NEMB + NEMB + NFEATS  # 35
B = 16384


def setup_inputs(seed: int = 0) -> dict:
    key = jax.random.key(seed)
    ks = jax.random.split(key, 10)
    boardInts = jax.random.randint(ks[0], (B, 5), 0, 5, dtype=jnp.int32)
    boardFeats = jax.random.normal(ks[1], (B, NFEATS), dtype=jnp.float32)
    twEmb = jax.random.normal(ks[2], (NTURNS, NEMB), dtype=jnp.float32)
    trEmb = jax.random.normal(ks[3], (NTURNS, NEMB), dtype=jnp.float32)
    weatherEmb = jax.random.normal(ks[4], (NWEATHERS, NEMB), dtype=jnp.float32)
    terrainEmb = jax.random.normal(ks[5], (NTERRAINS, NEMB), dtype=jnp.float32)
    ln_g = jnp.ones((NEWDIM,), dtype=jnp.float32)
    ln_b = jnp.zeros((NEWDIM,), dtype=jnp.float32)
    W = jax.random.normal(ks[6], (NEWDIM, NHIDDEN), dtype=jnp.float32) * (1.0 / np.sqrt(NEWDIM))
    b = jnp.zeros((NHIDDEN,), dtype=jnp.float32)
    return {"boardInts": boardInts, "boardFeats": boardFeats, "twEmb": twEmb,
            "trEmb": trEmb, "weatherEmb": weatherEmb, "terrainEmb": terrainEmb,
            "ln_g": ln_g, "ln_b": ln_b, "W": W, "b": b}


def _layernorm(x, g, beta, eps=1e-5):
    mu = jnp.mean(x, axis=-1, keepdims=True)
    var = jnp.mean((x - mu) ** 2, axis=-1, keepdims=True)
    return (x - mu) / jnp.sqrt(var + eps) * g + beta


def reference(boardInts, boardFeats, twEmb, trEmb, weatherEmb, terrainEmb, ln_g, ln_b, W, b):
    tws = jnp.take(twEmb, boardInts[:, 0:2], axis=0).reshape(boardInts.shape[0], 2 * NEMB)
    tr = jnp.take(trEmb, boardInts[:, 2], axis=0)
    weather = jnp.take(weatherEmb, boardInts[:, 3], axis=0)
    terrain = jnp.take(terrainEmb, boardInts[:, 4], axis=0)
    comb = jnp.concatenate([tws, tr, weather, terrain, boardFeats], axis=-1)
    normed = _layernorm(comb, ln_g, ln_b)
    return jax.nn.relu(normed @ W + b)

if __name__ == "__main__":
    import jax
    _d = setup_inputs()
    print(jax.jit(kernel)(*tuple(_d.values())))

</pallas_src>

<mosaic_0001>
#map = affine_map<(d0, d1) -> (0, 0)>
module attributes {stable_mosaic.version = 14 : i64} {
  func.func @_sc_gather_body(%arg0: i32, %arg1: i32, %arg2: memref<5x16384xi32, #tpu.memory_space<hbm>>, %arg3: memref<3125x32xf32, #tpu.memory_space<hbm>>, %arg4: memref<16384x32xf32, #tpu.memory_space<hbm>>, %arg5: memref<5x512xi32, #tpu.memory_space<vmem>>, %arg6: memref<4x128xi32, #tpu.memory_space<vmem>>, %arg7: memref<512x32xf32, #tpu.memory_space<vmem>>, %arg8: memref<!tpu.dma_semaphore, #tpu.memory_space<semaphore_mem>>) attributes {dimension_semantics = [#tpu.dimension_semantics<core_parallel>, #tpu.dimension_semantics<subcore_parallel>], iteration_bounds = array<i64: 2, 16>, scalar_prefetch = 0 : i64, scratch_operands = 4 : i64, tpu.core_type = #tpu.core_type<sc_vector_subcore>, window_params = [{transform_indices = #map}, {transform_indices = #map}, {transform_indices = #map}]} {
    %mul3A = arith.constant 2 : i32
    %mul3A_0 = arith.muli %arg1, %mul3A : i32
    %add3A = arith.addi %mul3A_0, %arg0 : i32
    %mul3A_1 = arith.constant 512 : i32
    %mul3A_2 = arith.muli %add3A, %mul3A_1 : i32
    "tpu.region"() ({
      %run_scoped3A = tpu.sem_alloc : memref<!tpu.dma_semaphore, #tpu.memory_space<semaphore_mem>>
      %dma_start3A_86 = arith.constant 0 : i32
      %dma_start3A_87 = tpu.memref_slice %arg2[%dma_start3A_86, %mul3A_2] : memref<5x16384xi32, #tpu.memory_space<hbm>> -> memref<5x512xi32, #tpu.memory_space<hbm>>
      %dma_start3A_88 = arith.constant 0 : i32
      %dma_start3A_89 = tpu.memref_slice %arg2[%dma_start3A_88, %mul3A_2] : memref<5x16384xi32, #tpu.memory_space<hbm>> -> memref<5x512xi32, #tpu.memory_space<hbm>>
      tpu.enqueue_dma source(%dma_start3A_89 : memref<5x512xi32, #tpu.memory_space<hbm>>) target(%arg5 : memref<5x512xi32, #tpu.memory_space<vmem>>) target_semaphore(%run_scoped3A : memref<!tpu.dma_semaphore, #tpu.memory_space<semaphore_mem>>)
      %dma_wait3A_90 = arith.constant 0 : i32
      %dma_wait3A_91 = tpu.memref_slice %arg2[%dma_wait3A_90, %mul3A_2] : memref<5x16384xi32, #tpu.memory_space<hbm>> -> memref<5x512xi32, #tpu.memory_space<hbm>>
      %dma_wait3A_92 = arith.constant 0 : i32
      %dma_wait3A_93 = tpu.memref_slice %arg2[%dma_wait3A_92, %mul3A_2] : memref<5x16384xi32, #tpu.memory_space<hbm>> -> memref<5x512xi32, #tpu.memory_space<hbm>>
      tpu.wait_dma2 semaphore(%run_scoped3A : memref<!tpu.dma_semaphore, #tpu.memory_space<semaphore_mem>>) src(%dma_wait3A_93 : memref<5x512xi32, #tpu.memory_space<hbm>>) dst(%arg5 : memref<5x512xi32, #tpu.memory_space<vmem>>)
      tpu.yield
    }) : () -> ()
    %scan3A = arith.constant 0 : i32
    %scan3A_3 = arith.constant 0 : i32
    %scan3A_4 = arith.constant 32 : i32
    %scan3A_5 = arith.addi %scan3A_3, %scan3A_4 : i32
    %scan3A_6 = arith.constant 1 : i32
    scf.for %scan3A_86 = %scan3A_3 to %scan3A_5 step %scan3A_6  : i32 {
      %mul3A_87 = arith.constant 16 : i32
      %mul3A_88 = arith.muli %scan3A_86, %mul3A_87 : i32
      %get3A = arith.constant 0 : i32
      %get3A_89 = arith.index_cast %get3A : i32 to index
      %get3A_90 = arith.index_cast %mul3A_88 : i32 to index
      %get3A_91 = tpu.vector_load %arg5[%get3A_89, %get3A_90] {strides = array<i32>} : memref<5x512xi32, #tpu.memory_space<vmem>>, vector<1x16xi32>,
      %get3A_92 = vector.shape_cast %get3A_91 : vector<1x16xi32> to vector<16xi32>
      %get3A_93 = arith.constant 1 : i32
      %get3A_94 = arith.index_cast %get3A_93 : i32 to index
      %get3A_95 = arith.index_cast %mul3A_88 : i32 to index
      %get3A_96 = tpu.vector_load %arg5[%get3A_94, %get3A_95] {strides = array<i32>} : memref<5x512xi32, #tpu.memory_space<vmem>>, vector<1x16xi32>,
      %get3A_97 = vector.shape_cast %get3A_96 : vector<1x16xi32> to vector<16xi32>
      %mul3A_98 = arith.constant 5 : i32
      %mul3A_99 = vector.broadcast %mul3A_98 : i32 to vector<16xi32>
      %mul3A_100 = arith.muli %mul3A_99, %get3A_97 : vector<16xi32>
      %add3A_101 = arith.addi %get3A_92, %mul3A_100 : vector<16xi32>
      %get3A_102 = arith.constant 2 : i32
      %get3A_103 = arith.index_cast %get3A_102 : i32 to index
      %get3A_104 = arith.index_cast %mul3A_88 : i32 to index
      %get3A_105 = tpu.vector_load %arg5[%get3A_103, %get3A_104] {strides = array<i32>} : memref<5x512xi32, #tpu.memory_space<vmem>>, vector<1x16xi32>,
      %get3A_106 = vector.shape_cast %get3A_105 : vector<1x16xi32> to vector<16xi32>
      %mul3A_107 = arith.constant 25 : i32
      %mul3A_108 = vector.broadcast %mul3A_107 : i32 to vector<16xi32>
      %mul3A_109 = arith.muli %mul3A_108, %get3A_106 : vector<16xi32>
      %add3A_110 = arith.addi %add3A_101, %mul3A_109 : vector<16xi32>
      %get3A_111 = arith.constant 3 : i32
      %get3A_112 = arith.index_cast %get3A_111 : i32 to index
      %get3A_113 = arith.index_cast %mul3A_88 : i32 to index
      %get3A_114 = tpu.vector_load %arg5[%get3A_112, %get3A_113] {strides = array<i32>} : memref<5x512xi32, #tpu.memory_space<vmem>>, vector<1x16xi32>,
      %get3A_115 = vector.shape_cast %get3A_114 : vector<1x16xi32> to vector<16xi32>
      %mul3A_116 = arith.constant 125 : i32
      %mul3A_117 = vector.broadcast %mul3A_116 : i32 to vector<16xi32>
      %mul3A_118 = arith.muli %mul3A_117, %get3A_115 : vector<16xi32>
      %add3A_119 = arith.addi %add3A_110, %mul3A_118 : vector<16xi32>
      %get3A_120 = arith.constant 4 : i32
      %get3A_121 = arith.index_cast %get3A_120 : i32 to index
      %get3A_122 = arith.index_cast %mul3A_88 : i32 to index
      %get3A_123 = tpu.vector_load %arg5[%get3A_121, %get3A_122] {strides = array<i32>} : memref<5x512xi32, #tpu.memory_space<vmem>>, vector<1x16xi32>,
      %get3A_124 = vector.shape_cast %get3A_123 : vector<1x16xi32> to vector<16xi32>
      %mul3A_125 = arith.constant 625 : i32
      %mul3A_126 = vector.broadcast %mul3A_125 : i32 to vector<16xi32>
      %mul3A_127 = arith.muli %mul3A_126, %get3A_124 : vector<16xi32>
      %add3A_128 = arith.addi %add3A_119, %mul3A_127 : vector<16xi32>
      %jit3A = arith.constant 8 : i32
      %div3A = arith.divsi %scan3A_86, %jit3A : i32
      %sign3A = arith.constant 0 : i32
      %sign3A_129 = arith.cmpi sgt, %scan3A_86, %sign3A : i32
      %sign3A_130 = arith.extui %sign3A_129 : i1 to i32
      %sign3A_131 = arith.constant 0 : i32
      %sign3A_132 = arith.cmpi slt, %scan3A_86, %sign3A_131 : i32
      %sign3A_133 = arith.extui %sign3A_132 : i1 to i32
      %sign3A_134 = arith.subi %sign3A_130, %sign3A_133 : i32
      %sign3A_135 = arith.constant 0 : i32
      %sign3A_136 = arith.cmpi sgt, %jit3A, %sign3A_135 : i32
      %sign3A_137 = arith.extui %sign3A_136 : i1 to i32
      %sign3A_138 = arith.constant 0 : i32
      %sign3A_139 = arith.cmpi slt, %jit3A, %sign3A_138 : i32
      %sign3A_140 = arith.extui %sign3A_139 : i1 to i32
      %sign3A_141 = arith.subi %sign3A_137, %sign3A_140 : i32
      %ne3A = arith.cmpi ne, %sign3A_134, %sign3A_141 : i32
      %rem3A = arith.remsi %scan3A_86, %jit3A : i32
      %ne3A_142 = arith.constant 0 : i32
      %ne3A_143 = arith.cmpi ne, %rem3A, %ne3A_142 : i32
      %and3A = arith.andi %ne3A, %ne3A_143 : i1
      %sub3A = arith.constant 1 : i32
      %sub3A_144 = arith.subi %div3A, %sub3A : i32
      %select_n3A = arith.select %and3A, %sub3A_144, %div3A : i32
      %jit3A_145 = arith.constant 8 : i32
      %eq3A = arith.constant 0 : i32
      %eq3A_146 = arith.cmpi eq, %jit3A_145, %eq3A : i32
      %jit3A_147 = arith.constant 1 : i32
      %select_n3A_148 = arith.select %eq3A_146, %jit3A_147, %jit3A_145 : i32
      %rem3A_149 = arith.remsi %scan3A_86, %select_n3A_148 : i32
      %ne3A_150 = arith.constant 0 : i32
      %ne3A_151 = arith.cmpi ne, %rem3A_149, %ne3A_150 : i32
      %lt3A = arith.constant 0 : i32
      %lt3A_152 = arith.cmpi slt, %rem3A_149, %lt3A : i32
      %lt3A_153 = arith.constant 0 : i32
      %lt3A_154 = arith.cmpi slt, %select_n3A_148, %lt3A_153 : i32
      %ne3A_155 = arith.xori %lt3A_152, %lt3A_154 : i1
      %and3A_156 = arith.andi %ne3A_155, %ne3A_151 : i1
      %add3A_157 = arith.addi %rem3A_149, %select_n3A_148 : i32
      %select_n3A_158 = arith.select %and3A_156, %add3A_157, %rem3A_149 : i32
      %mul3A_159 = arith.constant 16 : i32
      %mul3A_160 = arith.muli %select_n3A_158, %mul3A_159 : i32
      %swap3A = arith.index_cast %select_n3A : i32 to index
      %swap3A_161 = arith.index_cast %mul3A_160 : i32 to index
      %swap3A_162 = tpu.vector_load %arg6[%swap3A, %swap3A_161] {strides = array<i32>} : memref<4x128xi32, #tpu.memory_space<vmem>>, vector<1x16xi32>,
      %swap3A_163 = vector.shape_cast %swap3A_162 : vector<1x16xi32> to vector<16xi32>
      %swap3A_164 = vector.shape_cast %add3A_128 : vector<16xi32> to vector<1x16xi32>
      tpu.vector_store %arg6[%swap3A, %swap3A_161], %swap3A_164 {strides = array<i32>} : memref<4x128xi32, #tpu.memory_space<vmem>>, vector<1x16xi32>,
    }
    %scan3A_7 = arith.constant 32 : i32
    %dma_start3A = arith.constant 0 : i32
    %dma_start3A_8 = arith.constant 0 : i32
    %dma_start3A_9 = arith.constant 0 : i32
    %dma_start3A_10 = tpu.memref_slice %arg7[%dma_start3A_8, %dma_start3A_9] : memref<512x32xf32, #tpu.memory_space<vmem>> -> memref<128x32xf32, #tpu.memory_space<vmem>>
    %dma_start3A_11 = arith.constant 0 : i32
    %dma_start3A_12 = tpu.memref_slice %arg6[%dma_start3A, %dma_start3A_11] : memref<4x128xi32, #tpu.memory_space<vmem>> -> memref<1x128xi32, #tpu.memory_space<vmem>>
    %dma_start3A_13 = tpu.memref_squeeze %dma_start3A_12 : memref<1x128xi32, #tpu.memory_space<vmem>> -> memref<128xi32, #tpu.memory_space<vmem>>
    %dma_start3A_14 = arith.constant 0 : i32
    %dma_start3A_15 = arith.constant 0 : i32
    %dma_start3A_16 = tpu.memref_slice %arg3[%dma_start3A_14, %dma_start3A_15] : memref<3125x32xf32, #tpu.memory_space<hbm>> -> memref<3125x32xf32, #tpu.memory_space<hbm>>
    tpu.enqueue_indirect_dma source(%dma_start3A_16 : memref<3125x32xf32, #tpu.memory_space<hbm>>) target(%dma_start3A_10 : memref<128x32xf32, #tpu.memory_space<vmem>>) offsets(%dma_start3A_13 : memref<128xi32, #tpu.memory_space<vmem>>) semaphore(%arg8 : memref<!tpu.dma_semaphore, #tpu.memory_space<semaphore_mem>>)
    %dma_wait3A = arith.constant 0 : i32
    %dma_wait3A_17 = arith.constant 0 : i32
    %dma_wait3A_18 = arith.constant 0 : i32
    %dma_wait3A_19 = tpu.memref_slice %arg7[%dma_wait3A_17, %dma_wait3A_18] : memref<512x32xf32, #tpu.memory_space<vmem>> -> memref<128x32xf32, #tpu.memory_space<vmem>>
    %dma_wait3A_20 = arith.constant 0 : i32
    %dma_wait3A_21 = tpu.memref_slice %arg6[%dma_wait3A, %dma_wait3A_20] : memref<4x128xi32, #tpu.memory_space<vmem>> -> memref<1x128xi32, #tpu.memory_space<vmem>>
    %dma_wait3A_22 = tpu.memref_squeeze %dma_wait3A_21 : memref<1x128xi32, #tpu.memory_space<vmem>> -> memref<128xi32, #tpu.memory_space<vmem>>
    %dma_wait3A_23 = arith.constant 0 : i32
    %dma_wait3A_24 = arith.constant 0 : i32
    %dma_wait3A_25 = tpu.memref_slice %arg3[%dma_wait3A_23, %dma_wait3A_24] : memref<3125x32xf32, #tpu.memory_space<hbm>> -> memref<3125x32xf32, #tpu.memory_space<hbm>>
    tpu.wait_indirect_dma semaphore(%arg8 : memref<!tpu.dma_semaphore, #tpu.memory_space<semaphore_mem>>) src(%dma_wait3A_25 : memref<3125x32xf32, #tpu.memory_space<hbm>>) dst(%dma_wait3A_19 : memref<128x32xf32, #tpu.memory_space<vmem>>)
    %dma_start3A_26 = arith.constant 1 : i32
    %dma_start3A_27 = arith.constant 128 : i32
    %dma_start3A_28 = arith.constant 0 : i32
    %dma_start3A_29 = tpu.memref_slice %arg7[%dma_start3A_27, %dma_start3A_28] : memref<512x32xf32, #tpu.memory_space<vmem>> -> memref<128x32xf32, #tpu.memory_space<vmem>>
    %dma_start3A_30 = arith.constant 0 : i32
    %dma_start3A_31 = tpu.memref_slice %arg6[%dma_start3A_26, %dma_start3A_30] : memref<4x128xi32, #tpu.memory_space<vmem>> -> memref<1x128xi32, #tpu.memory_space<vmem>>
    %dma_start3A_32 = tpu.memref_squeeze %dma_start3A_31 : memref<1x128xi32, #tpu.memory_space<vmem>> -> memref<128xi32, #tpu.memory_space<vmem>>
    %dma_start3A_33 = arith.constant 0 : i32
    %dma_start3A_34 = arith.constant 0 : i32
    %dma_start3A_35 = tpu.memref_slice %arg3[%dma_start3A_33, %dma_start3A_34] : memref<3125x32xf32, #tpu.memory_space<hbm>> -> memref<3125x32xf32, #tpu.memory_space<hbm>>
    tpu.enqueue_indirect_dma source(%dma_start3A_35 : memref<3125x32xf32, #tpu.memory_space<hbm>>) target(%dma_start3A_29 : memref<128x32xf32, #tpu.memory_space<vmem>>) offsets(%dma_start3A_32 : memref<128xi32, #tpu.memory_space<vmem>>) semaphore(%arg8 : memref<!tpu.dma_semaphore, #tpu.memory_space<semaphore_mem>>)
    %dma_wait3A_36 = arith.constant 1 : i32
    %dma_wait3A_37 = arith.constant 128 : i32
    %dma_wait3A_38 = arith.constant 0 : i32
    %dma_wait3A_39 = tpu.memref_slice %arg7[%dma_wait3A_37, %dma_wait3A_38] : memref<512x32xf32, #tpu.memory_space<vmem>> -> memref<128x32xf32, #tpu.memory_space<vmem>>
    %dma_wait3A_40 = arith.constant 0 : i32
    %dma_wait3A_41 = tpu.memref_slice %arg6[%dma_wait3A_36, %dma_wait3A_40] : memref<4x128xi32, #tpu.memory_space<vmem>> -> memref<1x128xi32, #tpu.memory_space<vmem>>
    %dma_wait3A_42 = tpu.memref_squeeze %dma_wait3A_41 : memref<1x128xi32, #tpu.memory_space<vmem>> -> memref<128xi32, #tpu.memory_space<vmem>>
    %dma_wait3A_43 = arith.constant 0 : i32
    %dma_wait3A_44 = arith.constant 0 : i32
    %dma_wait3A_45 = tpu.memref_slice %arg3[%dma_wait3A_43, %dma_wait3A_44] : memref<3125x32xf32, #tpu.memory_space<hbm>> -> memref<3125x32xf32, #tpu.memory_space<hbm>>
    tpu.wait_indirect_dma semaphore(%arg8 : memref<!tpu.dma_semaphore, #tpu.memory_space<semaphore_mem>>) src(%dma_wait3A_45 : memref<3125x32xf32, #tpu.memory_space<hbm>>) dst(%dma_wait3A_39 : memref<128x32xf32, #tpu.memory_space<vmem>>)
    %dma_start3A_46 = arith.constant 2 : i32
    %dma_start3A_47 = arith.constant 256 : i32
    %dma_start3A_48 = arith.constant 0 : i32
    %dma_start3A_49 = tpu.memref_slice %arg7[%dma_start3A_47, %dma_start3A_48] : memref<512x32xf32, #tpu.memory_space<vmem>> -> memref<128x32xf32, #tpu.memory_space<vmem>>
    %dma_start3A_50 = arith.constant 0 : i32
    %dma_start3A_51 = tpu.memref_slice %arg6[%dma_start3A_46, %dma_start3A_50] : memref<4x128xi32, #tpu.memory_space<vmem>> -> memref<1x128xi32, #tpu.memory_space<vmem>>
    %dma_start3A_52 = tpu.memref_squeeze %dma_start3A_51 : memref<1x128xi32, #tpu.memory_space<vmem>> -> memref<128xi32, #tpu.memory_space<vmem>>
    %dma_start3A_53 = arith.constant 0 : i32
    %dma_start3A_54 = arith.constant 0 : i32
    %dma_start3A_55 = tpu.memref_slice %arg3[%dma_start3A_53, %dma_start3A_54] : memref<3125x32xf32, #tpu.memory_space<hbm>> -> memref<3125x32xf32, #tpu.memory_space<hbm>>
    tpu.enqueue_indirect_dma source(%dma_start3A_55 : memref<3125x32xf32, #tpu.memory_space<hbm>>) target(%dma_start3A_49 : memref<128x32xf32, #tpu.memory_space<vmem>>) offsets(%dma_start3A_52 : memref<128xi32, #tpu.memory_space<vmem>>) semaphore(%arg8 : memref<!tpu.dma_semaphore, #tpu.memory_space<semaphore_mem>>)
    %dma_wait3A_56 = arith.constant 2 : i32
    %dma_wait3A_57 = arith.constant 256 : i32
    %dma_wait3A_58 = arith.constant 0 : i32
    %dma_wait3A_59 = tpu.memref_slice %arg7[%dma_wait3A_57, %dma_wait3A_58] : memref<512x32xf32, #tpu.memory_space<vmem>> -> memref<128x32xf32, #tpu.memory_space<vmem>>
    %dma_wait3A_60 = arith.constant 0 : i32
    %dma_wait3A_61 = tpu.memref_slice %arg6[%dma_wait3A_56, %dma_wait3A_60] : memref<4x128xi32, #tpu.memory_space<vmem>> -> memref<1x128xi32, #tpu.memory_space<vmem>>
    %dma_wait3A_62 = tpu.memref_squeeze %dma_wait3A_61 : memref<1x128xi32, #tpu.memory_space<vmem>> -> memref<128xi32, #tpu.memory_space<vmem>>
    %dma_wait3A_63 = arith.constant 0 : i32
    %dma_wait3A_64 = arith.constant 0 : i32
    %dma_wait3A_65 = tpu.memref_slice %arg3[%dma_wait3A_63, %dma_wait3A_64] : memref<3125x32xf32, #tpu.memory_space<hbm>> -> memref<3125x32xf32, #tpu.memory_space<hbm>>
    tpu.wait_indirect_dma semaphore(%arg8 : memref<!tpu.dma_semaphore, #tpu.memory_space<semaphore_mem>>) src(%dma_wait3A_65 : memref<3125x32xf32, #tpu.memory_space<hbm>>) dst(%dma_wait3A_59 : memref<128x32xf32, #tpu.memory_space<vmem>>)
    %dma_start3A_66 = arith.constant 3 : i32
    %dma_start3A_67 = arith.constant 384 : i32
    %dma_start3A_68 = arith.constant 0 : i32
    %dma_start3A_69 = tpu.memref_slice %arg7[%dma_start3A_67, %dma_start3A_68] : memref<512x32xf32, #tpu.memory_space<vmem>> -> memref<128x32xf32, #tpu.memory_space<vmem>>
    %dma_start3A_70 = arith.constant 0 : i32
    %dma_start3A_71 = tpu.memref_slice %arg6[%dma_start3A_66, %dma_start3A_70] : memref<4x128xi32, #tpu.memory_space<vmem>> -> memref<1x128xi32, #tpu.memory_space<vmem>>
    %dma_start3A_72 = tpu.memref_squeeze %dma_start3A_71 : memref<1x128xi32, #tpu.memory_space<vmem>> -> memref<128xi32, #tpu.memory_space<vmem>>
    %dma_start3A_73 = arith.constant 0 : i32
    %dma_start3A_74 = arith.constant 0 : i32
    %dma_start3A_75 = tpu.memref_slice %arg3[%dma_start3A_73, %dma_start3A_74] : memref<3125x32xf32, #tpu.memory_space<hbm>> -> memref<3125x32xf32, #tpu.memory_space<hbm>>
    tpu.enqueue_indirect_dma source(%dma_start3A_75 : memref<3125x32xf32, #tpu.memory_space<hbm>>) target(%dma_start3A_69 : memref<128x32xf32, #tpu.memory_space<vmem>>) offsets(%dma_start3A_72 : memref<128xi32, #tpu.memory_space<vmem>>) semaphore(%arg8 : memref<!tpu.dma_semaphore, #tpu.memory_space<semaphore_mem>>)
    %dma_wait3A_76 = arith.constant 3 : i32
    %dma_wait3A_77 = arith.constant 384 : i32
    %dma_wait3A_78 = arith.constant 0 : i32
    %dma_wait3A_79 = tpu.memref_slice %arg7[%dma_wait3A_77, %dma_wait3A_78] : memref<512x32xf32, #tpu.memory_space<vmem>> -> memref<128x32xf32, #tpu.memory_space<vmem>>
    %dma_wait3A_80 = arith.constant 0 : i32
    %dma_wait3A_81 = tpu.memref_slice %arg6[%dma_wait3A_76, %dma_wait3A_80] : memref<4x128xi32, #tpu.memory_space<vmem>> -> memref<1x128xi32, #tpu.memory_space<vmem>>
    %dma_wait3A_82 = tpu.memref_squeeze %dma_wait3A_81 : memref<1x128xi32, #tpu.memory_space<vmem>> -> memref<128xi32, #tpu.memory_space<vmem>>
    %dma_wait3A_83 = arith.constant 0 : i32
    %dma_wait3A_84 = arith.constant 0 : i32
    %dma_wait3A_85 = tpu.memref_slice %arg3[%dma_wait3A_83, %dma_wait3A_84] : memref<3125x32xf32, #tpu.memory_space<hbm>> -> memref<3125x32xf32, #tpu.memory_space<hbm>>
    tpu.wait_indirect_dma semaphore(%arg8 : memref<!tpu.dma_semaphore, #tpu.memory_space<semaphore_mem>>) src(%dma_wait3A_85 : memref<3125x32xf32, #tpu.memory_space<hbm>>) dst(%dma_wait3A_79 : memref<128x32xf32, #tpu.memory_space<vmem>>)
    "tpu.region"() ({
      %run_scoped3A = tpu.sem_alloc : memref<!tpu.dma_semaphore, #tpu.memory_space<semaphore_mem>>
      %dma_start3A_86 = arith.constant 0 : i32
      %dma_start3A_87 = tpu.memref_slice %arg4[%mul3A_2, %dma_start3A_86] : memref<16384x32xf32, #tpu.memory_space<hbm>> -> memref<512x32xf32, #tpu.memory_space<hbm>>
      %dma_start3A_88 = arith.constant 0 : i32
      %dma_start3A_89 = tpu.memref_slice %arg4[%mul3A_2, %dma_start3A_88] : memref<16384x32xf32, #tpu.memory_space<hbm>> -> memref<512x32xf32, #tpu.memory_space<hbm>>
      tpu.enqueue_dma source(%arg7 : memref<512x32xf32, #tpu.memory_space<vmem>>) target(%dma_start3A_89 : memref<512x32xf32, #tpu.memory_space<hbm>>) target_semaphore(%run_scoped3A : memref<!tpu.dma_semaphore, #tpu.memory_space<semaphore_mem>>)
      %dma_wait3A_90 = arith.constant 0 : i32
      %dma_wait3A_91 = tpu.memref_slice %arg4[%mul3A_2, %dma_wait3A_90] : memref<16384x32xf32, #tpu.memory_space<hbm>> -> memref<512x32xf32, #tpu.memory_space<hbm>>
      %dma_wait3A_92 = arith.constant 0 : i32
      %dma_wait3A_93 = tpu.memref_slice %arg4[%mul3A_2, %dma_wait3A_92] : memref<16384x32xf32, #tpu.memory_space<hbm>> -> memref<512x32xf32, #tpu.memory_space<hbm>>
      tpu.wait_dma2 semaphore(%run_scoped3A : memref<!tpu.dma_semaphore, #tpu.memory_space<semaphore_mem>>) src(%arg7 : memref<512x32xf32, #tpu.memory_space<vmem>>) dst(%dma_wait3A_93 : memref<512x32xf32, #tpu.memory_space<hbm>>)
      tpu.yield
    }) : () -> ()
    return
  }
}

module attributes {stable_mosaic.version = 14 : i64} {
  func.func @_board_kernel(%arg0: i32, %arg1: memref<32x8192xf32, #tpu.memory_space<vmem>>, %arg2: memref<15x8192xf32, #tpu.memory_space<vmem>>, %arg3: memref<36x128xf32, #tpu.memory_space<vmem>>, %arg4: memref<8192x128xf32, #tpu.memory_space<vmem>>) attributes {dimension_semantics = [#tpu.dimension_semantics<arbitrary>], iteration_bounds = array<i64: 2>, scalar_prefetch = 0 : i64, scratch_operands = 0 : i64, tpu.core_type = #tpu.core_type<tc>, window_params = [{transform_indices = @transform_0, window_bounds = array<i64: 32, 8192>}, {transform_indices = @transform_1, window_bounds = array<i64: 15, 8192>}, {pipeline_mode = #tpu.pipeline_mode<synchronous>, transform_indices = @transform_2, window_bounds = array<i64: 36, 128>}, {transform_indices = @transform_3, window_bounds = array<i64: 8192, 128>}]} {
    %get3A = arith.constant 0 : index
    %get3A_0 = arith.constant 0 : index
    %get3A_1 = vector.load %arg1[%get3A, %get3A_0] : memref<32x8192xf32, #tpu.memory_space<vmem>>, vector<20x8192xf32>
    %get3A_2 = arith.constant 0 : index
    %get3A_3 = arith.constant 0 : index
    %get3A_4 = vector.load %arg2[%get3A_2, %get3A_3] : memref<15x8192xf32, #tpu.memory_space<vmem>>, vector<15x8192xf32>
    %concatenate3A = tpu.concatenate %get3A_1, %get3A_4 in 0 : vector<20x8192xf32>, vector<15x8192xf32> -> vector<35x8192xf32>
    %reduce_sum3A = arith.constant dense<0.000000e+00> : vector<8192xf32>
    %reduce_sum3A_5 = vector.multi_reduction <add>, %concatenate3A, %reduce_sum3A [0] : vector<35x8192xf32> to vector<8192xf32>
    %broadcast_in_dim3A = vector.shape_cast %reduce_sum3A_5 : vector<8192xf32> to vector<1x8192xf32>
    %div3A = arith.constant 3.500000e+01 : f32
    %div3A_6 = vector.broadcast %div3A : f32 to vector<1x8192xf32>
    %div3A_7 = arith.divf %broadcast_in_dim3A, %div3A_6 : vector<1x8192xf32>
    %sub3A = vector.broadcast %div3A_7 : vector<1x8192xf32> to vector<35x8192xf32>
    %sub3A_8 = arith.subf %concatenate3A, %sub3A : vector<35x8192xf32>
    %mul3A = arith.mulf %sub3A_8, %sub3A_8 : vector<35x8192xf32>
    %reduce_sum3A_9 = arith.constant dense<0.000000e+00> : vector<8192xf32>
    %reduce_sum3A_10 = vector.multi_reduction <add>, %mul3A, %reduce_sum3A_9 [0] : vector<35x8192xf32> to vector<8192xf32>
    %broadcast_in_dim3A_11 = vector.shape_cast %reduce_sum3A_10 : vector<8192xf32> to vector<1x8192xf32>
    %div3A_12 = arith.constant 3.500000e+01 : f32
    %div3A_13 = vector.broadcast %div3A_12 : f32 to vector<1x8192xf32>
    %div3A_14 = arith.divf %broadcast_in_dim3A_11, %div3A_13 : vector<1x8192xf32>
    %add3A = arith.constant 9.99999974E-6 : f32
    %add3A_15 = vector.broadcast %add3A : f32 to vector<1x8192xf32>
    %add3A_16 = arith.addf %div3A_14, %add3A_15 : vector<1x8192xf32>
    %rsqrt3A = math.rsqrt %add3A_16 : vector<1x8192xf32>
    %mul3A_17 = vector.broadcast %rsqrt3A : vector<1x8192xf32> to vector<35x8192xf32>
    %mul3A_18 = arith.mulf %sub3A_8, %mul3A_17 : vector<35x8192xf32>
    %broadcast_in_dim3A_19 = arith.constant 1.000000e+00 : f32
    %broadcast_in_dim3A_20 = vector.broadcast %broadcast_in_dim3A_19 : f32 to vector<1x8192xf32>
    %concatenate3A_21 = tpu.concatenate %mul3A_18, %broadcast_in_dim3A_20 in 0 : vector<35x8192xf32>, vector<1x8192xf32> -> vector<36x8192xf32>
    %get3A_22 = arith.constant 0 : index
    %get3A_23 = arith.constant 0 : index
    %get3A_24 = vector.load %arg3[%get3A_22, %get3A_23] : memref<36x128xf32, #tpu.memory_space<vmem>>, vector<36x128xf32>
    %dot_general3A = arith.constant dense<0.000000e+00> : vector<8192x128xf32>
    %dot_general3A_25 = tpu.matmul %concatenate3A_21, %get3A_24, %dot_general3A {dimension_numbers = #tpu.dot_dimension_numbers<[0], [0], [1], [1], [0, 1, 1, 1], [], []>, transpose_lhs_hint = false} : vector<36x8192xf32>, vector<36x128xf32>, vector<8192x128xf32> -> vector<8192x128xf32>
    %max3A = arith.constant 0.000000e+00 : f32
    %max3A_26 = vector.broadcast %max3A : f32 to vector<8192x128xf32>
    %max3A_27 = arith.maximumf %dot_general3A_25, %max3A_26 : vector<8192x128xf32>
    %swap3A = arith.constant 0 : index
    %swap3A_28 = arith.constant 0 : index
    %swap3A_29 = vector.load %arg4[%swap3A, %swap3A_28] : memref<8192x128xf32, #tpu.memory_space<vmem>>, vector<8192x128xf32>
    tpu.vector_store %arg4[%swap3A, %swap3A_28], %max3A_27 {strides = array<i32>} : memref<8192x128xf32, #tpu.memory_space<vmem>>, vector<8192x128xf32>,
    return
  }
  func.func @transform_0(%arg0: i32) -> (i32, i32) {
    %c0_i32 = arith.constant 0 : i32
    %c0_i32_0 = arith.constant 0 : i32
    return %c0_i32, %arg0 : i32, i32
  }
  func.func @transform_1(%arg0: i32) -> (i32, i32) {
    %c0_i32 = arith.constant 0 : i32
    %c0_i32_0 = arith.constant 0 : i32
    return %c0_i32, %arg0 : i32, i32
  }
  func.func @transform_2(%arg0: i32) -> (i32, i32) {
    %c0_i32 = arith.constant 0 : i32
    %c0_i32_0 = arith.constant 0 : i32
    %c0_i32_1 = arith.constant 0 : i32
    return %c0_i32, %c0_i32_0 : i32, i32
  }
  func.func @transform_3(%arg0: i32) -> (i32, i32) {
    %c0_i32 = arith.constant 0 : i32
    %c0_i32_0 = arith.constant 0 : i32
    return %arg0, %c0_i32 : i32, i32
  }
}

</mosaic_0001>

<sc_bundles>
// kernel: _run.4.cloned.1.call-start
scs
__scs_entry_jumppad:
0x0: {  	(pc) =	sbr.rel $0x88, $3  }
0x1: {  	(tag) =	ssettag $0x0;
	lr =	simm.s32 $0x1  }
0x2: {  	[smem:$0x3F97] =	sst lr;
	_ =	strace $0xD0000000  }
0x3: {  	_ = 	snop  }
0x4: {  	_ = 	snop  }
0x5: {  	_ = 	snop  }
0x6: {  	_ = 	snop  }
0x7: {  	_ = 	snop  }
__scs_overlays_trampoline_lowered:
0x8: {  	[smem:$0x3FA6] =	sst s0  }
0x9: {  	[smem:$0x3FA7] =	sst s1  }
0xa: {  	[smem:$0x3FA8] =	sst s2  }
0xb: {  	[smem:$0x3FA9] =	sst s3  }
0xc: {  	[smem:$0x3FAA] =	sst s4  }
0xd: {  	[smem:$0x3FAB] =	sst s5  }
0xe: {  	[smem:$0x3FAC] =	sst s6  }
0xf: {  	[smem:$0x3FAD] =	sst s7  }
0x10: {  	[smem:$0x3FAE] =	sst s8  }
0x11: {  	[smem:$0x3FAF] =	sst s9;
	s0 =	simm.s32 @!p0 $0x0  }
0x12: {  	s1 =	sld [smem:$0x3F95];
	s0 =	simm.s32 @p0 $0x1  }
0x13: {  	[smem:$0x3FB0] =	sst s0;
	s0 =	simm.s32 @!p1 $0x0  }
0x14: {  	s2 =	sld [smem:$0x3F94];
	s0 =	simm.s32 @p1 $0x1  }
0x15: {  	[smem:$0x3FB1] =	sst s0;
	s0 =	simm.s32 @!p2 $0x0  }
0x16: {  	s3 =	sld [smem:$0x3FDB];
	s0 =	simm.s32 @p2 $0x1  }
0x17: {  	s4 =	simm.s32 $0x1BF5;
	[smem:$0x3FB3] =	sst s0  }
0x18: {  	s0 =	sld [smem:$0x3F96];
	_ =	swait.ge [sflag:s4], $0x0  }
0x19: {  	s7 =	sld [smem:$0x3F97]  }
0x1a: {  	s8 =	sadd.s32 $0xFFFFE003, lr  }
0x1b: {  	s9 =	sadd.s32 $0xFFFFFEF7, lr;
	s5 =	simm.s32 $0xFFFFFFFF;
	p2 =	slt.u32 s8, $0xFFFFF086  }
0x1c: {  	p1 =	slt.u32 s9, $0xF7A;
	s5 =	simm.s32 @!p2 $0x0  }
0x1d: {  	s5 =	simm.s32 @p1 $0x1;
	p0 =	seq.s32 s7, s2  }
0x1e: {  	s7 =	smul.u32 @!p0 $0xF7A, s2;
	p2 =	seq.s32 @!p0 s5, $0x0  }
0x1f: {  	s9 =	smul.u32 $0xF7A, s1;
	s8 =	simm.s32 @!p0 $0x1BF5;
	p2 =	por !p2, p0  }
0x20: {  	[sflag:s8] =	ssyncset.s32 @!p0 $0xFFFFF086;
	s6 =	sadd.s32 @!p0 s3, s7;
	s7 =	simm.s32 @!p0 $0x108  }
0x21: {  	s3 =	sadd.s32 s3, s9;
	s6 =	sadd.s32 @!p0 $0x88, s6;
	s7 =	simm.s32 @p2 $0x1082  }
0x22: {  	[simem:s7], [sflag:s8] =	dma.local @!p0 [hbm:s6], $0xF7A  }
0x23: {  	s9 =	sor.u32 $0xD0000000, s2;
	s6 =	simm.s32 $0x108;
	_ =	swait.ge @!p0 [sflag:s8], $0x0  }
0x24: {  	s3 =	sadd.s32 $0x88, s3;
	s6 =	simm.s32 @!p1 $0x1082;
	[sflag:s4] =	ssyncset.s32 $0xFFFFF086  }
0x25: {  	[simem:s6], [sflag:s4] =	dma.local [hbm:s3], $0xF7A  }
0x26: {  	[smem:$0x3F97] =	sst s1;
	(tag) =	ssettag s2;
	_ =	strace s9  }
0x27: {  	s1 =	sld [smem:$0x3FA7]  }
0x28: {  	s2 =	sld [smem:$0x3FA8]  }
0x29: {  	s4 =	sld [smem:$0x3FAA]  }
0x2a: {  	p0 =	seq.s32 s5, $0x0;
	s5 =	sld [smem:$0x3FAB]  }
0x2b: {  	s6 =	sld [smem:$0x3FAC]  }
0x2c: {  	s7 =	sld [smem:$0x3FAD]  }
0x2d: {  	s3 =	simm.s32 $0x108;
	s8 =	sld [smem:$0x3FAE]  }
0x2e: {  	s3 =	simm.s32 @!p0 $0x1082;
	s9 =	sld [smem:$0x3FAF]  }
0x2f: {  	lr =	sadd.s32 s0, s3;
	s0 =	sld [smem:$0x3FA6]  }
0x30: {  	s3 =	sld [smem:$0x3FA9]  }
0x31: {  	[smem:$0x3FB2] =	sst s10  }
0x32: {  	s10 =	sld [smem:$0x3FB0];
	_ =	sdelay $0x3  }
0x33: {  	p0 =	seq.s32 s10, $0x1;
	s10 =	sld [smem:$0x3FB2];
	_ =	sdelay $0x3  }
0x34: {  	[smem:$0x3FB2] =	sst s10  }
0x35: {  	s10 =	sld [smem:$0x3FB1];
	_ =	sdelay $0x3  }
0x36: {  	p1 =	seq.s32 s10, $0x1;
	s10 =	sld [smem:$0x3FB2];
	_ =	sdelay $0x3  }
0x37: {  	[smem:$0x3FB2] =	sst s10  }
0x38: {  	s10 =	sld [smem:$0x3FB3]  }
0x39: {  	_ = 	snop;
	(pc) =	sbr.ind lr, $3  }
0x3a: {  	_ = 	snop  }
0x3b: {  	_ = 	snop  }
0x3c: {  	p2 =	seq.s32 s10, $0x1;
	s10 =	sld [smem:$0x3FB2]  }
0x3d: {  	_ =	shalt  }
0x3e: {  	_ =	shalt  }
0x3f: {  	_ =	shalt  }
0x40: {  	_ =	shalt  }
0x41: {  	_ =	shalt  }
0x42: {  	_ =	shalt  }
0x43: {  	_ =	shalt  }
0x44: {  	_ =	shalt  }
0x45: {  	_ =	shalt  }
0x46: {  	_ =	shalt  }
0x47: {  	_ =	shalt  }
0x48: {  	_ =	shalt  }
0x49: {  	_ =	shalt  }
0x4a: {  	_ =	shalt  }
0x4b: {  	_ =	shalt  }
0x4c: {  	_ =	shalt  }
0x4d: {  	_ =	shalt  }
0x4e: {  	_ =	shalt  }
0x4f: {  	_ =	shalt  }
0x50: {  	_ =	shalt  }
0x51: {  	_ =	shalt  }
0x52: {  	_ =	shalt  }
0x53: {  	_ =	shalt  }
0x54: {  	_ =	shalt  }
0x55: {  	_ =	shalt  }
0x56: {  	_ =	shalt  }
0x57: {  	_ =	shalt  }
0x58: {  	_ =	shalt  }
0x59: {  	_ =	shalt  }
0x5a: {  	_ =	shalt  }
0x5b: {  	_ =	shalt  }
0x5c: {  	_ =	shalt  }
0x5d: {  	_ =	shalt  }
0x5e: {  	_ =	shalt  }
0x5f: {  	_ =	shalt  }
0x60: {  	_ =	shalt  }
0x61: {  	_ =	shalt  }
0x62: {  	_ =	shalt  }
0x63: {  	_ =	shalt  }
0x64: {  	_ =	shalt  }
0x65: {  	_ =	shalt  }
0x66: {  	_ =	shalt  }
0x67: {  	_ =	shalt  }
0x68: {  	_ =	shalt  }
0x69: {  	_ =	shalt  }
0x6a: {  	_ =	shalt  }
0x6b: {  	_ =	shalt  }
0x6c: {  	_ =	shalt  }
0x6d: {  	_ =	shalt  }
0x6e: {  	_ =	shalt  }
0x6f: {  	_ =	shalt  }
0x70: {  	_ =	shalt  }
0x71: {  	_ =	shalt  }
0x72: {  	_ =	shalt  }
0x73: {  	_ =	shalt  }
0x74: {  	_ =	shalt  }
0x75: {  	_ =	shalt  }
0x76: {  	_ =	shalt  }
0x77: {  	_ =	shalt  }
0x78: {  	_ =	shalt  }
0x79: {  	_ =	shalt  }
0x7a: {  	_ =	shalt  }
0x7b: {  	_ =	shalt  }
0x7c: {  	_ =	shalt  }
0x7d: {  	_ =	shalt  }
0x7e: {  	_ =	shalt  }
0x7f: {  	_ =	shalt  }
0x80: {  	_ =	shalt  }
0x81: {  	_ =	shalt  }
0x82: {  	_ =	shalt  }
0x83: {  	_ =	shalt  }
0x84: {  	_ =	shalt  }
0x85: {  	_ =	shalt  }
0x86: {  	_ =	shalt  }
0x87: {  	_ =	shalt  }
.Lfunc_end0:
.L_simem_size_0:
called_computation_lowered:
.L_overlay_start_0:
0x88: {  	s2 =	sld [smem:$0x3FD9]  }
0x89: {  	s3 =	sld [smem:$0x3FFE];
	_ =	sdelay $0x1  }
0x8a: {  	s1 =	srdreg.scid  }
0x8b: {  	s0 =	sand.u32 $0x1, s1  }
0x8c: {  	s17 =	sshll.u32 s0, $0xA;
	s2 =	sadd.s32 s3, s2  }
0x8d: {  	s2 =	sadd.s32 s2, s17  }
0x8e: {  	[smem:$0x3FBE] =	sst s2  }
0x8f: {  	_ = 	snop  }
0x90: {  	s2 =	sld [smem:$0x3FD0];
	(tm) =	ssettm $0x1  }
0x91: {  	s18 =	sld [smem:$0x3FFB];
	_ =	sdelay $0x3  }
0x92: {  	_ =	strace s18  }
0x93: {  	s3 =	sld [smem:$0x3FFC];
	_ =	sdelay $0x3  }
0x94: {  	_ =	strace s3  }
0x95: {  	s3 =	sld [smem:$0x3FFD];
	_ =	sdelay $0x3  }
0x96: {  	_ =	strace s3  }
0x97: {  	_ =	strace $0x8FFFFFFF  }
0x98: {  	s19 =	sld [smem:$0x3FDB];
	_ =	sdelay $0x1  }
0x99: {  	s4 =	simm.s32 $_scs_section_size  }
0x9a: {  	s5 =	simm.s32 $_size__tile_overlayer_lowered;
	s6 =	simm.s32 $_tile_overlayer_lowered  }
0x9b: {  	s22 =	simm.s32 $0x1BFF;
	s21 =	sshll.u32 s6, $0x1;
	s3 =	sadd.s32 s4, s19  }
0x9c: {  	s7 =	simm.s32 $0x0;
	s20 =	sshll.u32 s5, $0x1;
	s5 =	sadd.s32 s21, s3  }
0x9d: {  	[timem:s7], [sflag:s22] =	dma.local [hbm:s5], s20  }
0x9e: {  	_ =	swait.ge [sflag:s22], s20  }
0x9f: {  	s4 =	ssub.s32 $0x0, s20;
	[sflag:s22] =	ssyncset.done $0x0  }
0xa0: {  	[sflag:s22] =	ssyncadd.s32 s4;
	_ =	sdelay $0x1  }
0xa1: {  	s23 =	simm.s32 $0x1B8B  }
0xa2: {  	_ =	swait.ge [sflag:s23], $0x1  }
0xa3: {  	[sflag:s23] =	ssyncset.done $0x0  }
0xa4: {  	s25 =	simm.s32 $0x1B8E;
	s24 =	sld [smem:$0x3FFE];
	[sflag:s23] =	ssyncadd.s32 $0xFFFFFFFF  }
0xa5: {  	s26 =	simm.s32 $execute0_lowered;
	[smem:$0x3FD2] =	sst s25  }
0xa6: {  	s5 =	sshll.u32 s26, $0x1;
	_ =	strace $0x80000046;
	[dreg:$0x1] =	wrdreg $0xFFFFFFFF  }
0xa7: {  	s28 =	simm.s32 $_size_execute0_lowered;
	s3 =	sadd.s32 s3, s5;
	[dreg:$0x0] =	wrdreg $0x0  }
0xa8: {  	s5 =	sshll.u32 s28, $0x1;
	[dreg:$0x2] =	wrdreg s3  }
0xa9: {  	[dreg:$0x3] =	wrdreg s5  }
0xaa: {  	[dreg:$0x4] =	wrdreg $0xC0  }
0xab: {  	_ =	task [dreg:s7], $0x5FFFF  }
0xac: {  	[dreg:$0x1] =	wrdreg $0xFFFFFFFF  }
0xad: {  	[dreg:$0x0] =	wrdreg $0x60  }
0xae: {  	[dreg:$0x2] =	wrdreg s24  }
0xaf: {  	[dreg:$0x3] =	wrdreg s2  }
0xb0: {  	[dreg:$0x4] =	wrdreg $0x9  }
0xb1: {  	_ =	task.clear_ibuf [dreg:s7], $0x5FFFF;
	_ =	strace $0x90000046  }
0xb2: {  	s29 =	simm.s32 $0x9;
	_ =	strace $0x80000048  }
0xb3: {  	_ =	swait.ge [sflag:s29], $0x1  }
0xb4: {  	[sflag:s29] =	ssyncadd.s32 $0xFFFFFFFF  }
0xb5: {  	_ =	strace $0x90000048  }
0xb6: {  	_ =	sfence  }
0xb7: {  	s30 =	sld [smem:$0x0];
	_ =	sdelay $0x2  }
0xb8: {  	s31 =	sshll.u32 s1, $0xD;
	s1 =	sshrl.u32 s1, $0x2  }
0xb9: {  	s3 =	sand.u32 $0x4000, s31;
	s1 =	sadd.s32 s1, s30  }
0xba: {  	s0 =	sor.u32 s3, s0;
	s1 =	sshll.u32 s1, $0x11  }
0xbb: {  	s0 =	sor.u32 s1, s0  }
0xbc: {  	s0 =	sadd.s32 $0x8F2B, s0  }
0xbd: {  	[sflag:s0] =	ssyncadd.remote.s32 $0x1  }
0xbe: {  	_ =	sfence.sel $0xFFFF  }
0xbf: {  	[dreg:$0x0] =	wrdreg $0xFFFFFFFF;
	(pc) =	sbr.abs _section_cstart, $3  }
0xc0: {  	[dreg:$0x1] =	wrdreg $0xFFFFFFFF  }
0xc1: {  	_ =	task.clear_ibuf [dreg:s7], $0x2FFFF;
	_ =	strace $0x9FFFFFFF  }
0xc2: {  	(tm) =	ssettm $0x7FFFFFFF  }
0xc3: {  	_ =	shalt  }
tec
execute0_lowered:
.L_overlay_start_1:
0x0: {  	(tag) =	ssettag $0x1  }
0x1: {  	s2 =	rddreg [dreg:$0x0]  }
0x2: {  	s5 =	rddreg [dreg:$0x1];
	s3 =	srdreg.scid  }
0x3: {  	s0 =	rddreg [dreg:$0x2];
	s1 =	stileid.u32  }
0x4: {  	s9 =	simm.s32 $0x2;
	s10 =	simm.s32 $0x80;
	s11 =	simm.s32 $0xA00  }
0x5: {  	s12 =	simm.s32 $0xC00;
	s13 =	simm.s32 $0x1;
	s14 =	simm.s32 $0xA80  }
0x6: {  	s15 =	simm.s32 $0x1C00;
	s16 =	simm.s32 $0xB00;
	s17 =	simm.s32 $0x2C00  }
0x7: {  	s18 =	simm.s32 $0xB80;
	s19 =	simm.s32 $0x3C00;
	s20 =	simm.s32 $0x0  }
0x8: {  	s4 =	sand.u32 $0x1, s3;
	s3 =	simm.s32 $0x0;
	s6 =	sshll.u32 s1, $0xA  }
0x9: {  	s7 =	sshll.u32 s4, $0x9;
	[smem:$0x7FF] =	sst s3;
	s4 =	ssub.s32 $0x2, s4  }
0xa: {  	s6 =	sor.u32 s7, s6;
	_ =	strace $0x80000047;
	s8 =	sshrl.u32 s4, $0x1  }
0xb: {  	s7 =	sshrl.u32 s6, $0x3;
	s6 =	sshll.u32 s6, $0x2;
	s8 =	ssub.s32 s4, s8  }
0xc: {  	s7 =	sadd.s32 s7, s2;
	s5 =	sadd.s32 s5, s6;
	s6 =	smax.u32 s8, $0x1  }
0xd: {  	s8 =	simm.s32 $0x4000;
	s4 =	sadd.s32 $0x3200, s7;
	s7 =	simm.s32 $0x200  }
.LBB2_1:
0xe: {  	[tilespmem:s3], [sflag:$0x2] =	stream.strided.gather [hbm4b:s4+s7], $0xA00, s8, s7, $0x38;
	[tilespmem:$0x4C00] =	vst v63  }
0xf: {  	_ =	swait.ge [sflag:s9], $0xA00  }
0x10: {  	[sflag:s9] =	ssyncset.done $0x0  }
0x11: {  	s21 =	simm.s32 $0x0;
	[sflag:s9] =	ssyncadd.s32 $0xFFFFF600  }
0x12: {  	v0 =	vld [tilespmem:s21+$0x600]  }
0x13: {  	v1 =	vld [tilespmem:s21+$0x200]  }
0x14: {  	v2 =	vld [tilespmem:s21+$0x400]  }
0x15: {  	v3 =	vld [tilespmem:s21+$0x0]  }
0x16: {  	v4 =	vld [tilespmem:s21+$0x800];
	_ =	sdelay $0x1  }
0x17: {  	v1 =	vmul.u32 $0x5, v1  }
0x18: {  	v2 =	vmul.u32 $0x19, v2  }
0x19: {  	v0 =	vmul.u32 $0x7D, v0;
	v1 =	vadd.s32 v3, v1  }
0x1a: {  	s31 =	sand.u32 $0x600, s3;
	v1 =	vadd.s32 v2, v1;
	v2 =	vmul.u32 $0x271, v4  }
0x1b: {  	s22 =	sand.u32 $0x70, s3;
	s21 =	sshrl.u32 s31, $0x2;
	v0 =	vadd.s32 v0, v1  }
0x1c: {  	s21 =	sor.u32 s22, s21;
	v0 =	vadd.s32 v2, v0  }
0x1d: {  	s24 =	simm.s32 $0x10;
	[tilespmem:s21+$0xA00] =	vst v0  }
0x1e: {  	s23 =	simm.s32 $0x80;
	s22 =	simm.s32 $0x40;
	s21 =	simm.s32 $0x0;
	v0 =	vld [tilespmem:s24+$0x600]  }
.LBB2_2:
0x1f: {  	p0 =	sne.s32 s23, $0x7C0;
	v1 =	vld [tilespmem:s24+$0x200]  }
0x20: {  	v2 =	vld [tilespmem:s24+$0x400]  }
0x21: {  	v3 =	vld [tilespmem:s24+$0x0]  }
0x22: {  	v4 =	vld [tilespmem:s24+$0x800];
	_ =	sdelay $0x1  }
0x23: {  	v1 =	vmul.u32 $0x5, v1  }
0x24: {  	v2 =	vmul.u32 $0x19, v2  }
0x25: {  	v0 =	vmul.u32 $0x7D, v0;
	v1 =	vadd.s32 v3, v1  }
.Ltmp0:
0x26: {  	s22 =	sand.u32 $0x600, s22;
	s21 =	sadd.s32 $0x10, s21;
	v1 =	vadd.s32 v2, v1;
	v2 =	vmul.u32 $0x271, v4;
	(pc) =	sbr.rel @p0 .LBB2_2-.Ltmp0, $4  }
0x27: {  	s25 =	sshrl.u32 s22, $0x2;
	s22 =	smov.u32 s23;
	s24 =	sand.u32 $0x70, s21;
	v0 =	vadd.s32 v0, v1  }
0x28: {  	s25 =	sor.u32 s24, s25;
	v0 =	vadd.s32 v2, v0  }
0x29: {  	s24 =	sshra.s32 s23, $0x2;
	[tilespmem:s25+$0xA00] =	vst v0  }
0x2a: {  	s23 =	sadd.s32 $0x40, s23;
	v0 =	vld [tilespmem:s24+$0x600]  }
0x2b: {  	v1 =	vld [tilespmem:s24+$0x200]  }
0x2c: {  	v2 =	vld [tilespmem:s24+$0x400]  }
0x2d: {  	v3 =	vld [tilespmem:s24+$0x0]  }
0x2e: {  	v4 =	vld [tilespmem:s24+$0x800];
	_ =	sdelay $0x1  }
0x2f: {  	v1 =	vmul.u32 $0x5, v1  }
0x30: {  	v2 =	vmul.u32 $0x19, v2  }
0x31: {  	v0 =	vmul.u32 $0x7D, v0;
	v1 =	vadd.s32 v3, v1  }
0x32: {  	s22 =	sand.u32 $0x600, s22;
	s21 =	sadd.s32 $0x10, s21;
	v63 =	vmul.u32 $0x271, v4;
	v1 =	vadd.s32 v2, v1  }
0x33: {  	s21 =	sand.u32 $0x70, s21;
	s22 =	sshrl.u32 s22, $0x2;
	v0 =	vadd.s32 v0, v1  }
0x34: {  	s21 =	sor.u32 s21, s22;
	v0 =	vadd.s32 v63, v0  }
0x35: {  	[tilespmem:s21+$0xA00] =	vst v0  }
0x36: {  	[tilespmem:s12], [sflag:$0x1] =	stream.indirect.gather [hbm4b:s2+s10], $0x20, s11, s10, $0xb8;
	[tilespmem:$0x4C00] =	vst v63  }
0x37: {  	_ =	swait.ge [sflag:s13], $0x1000  }
0x38: {  	[sflag:s13] =	ssyncset.done $0x0  }
0x39: {  	[sflag:s13] =	ssyncadd.s32 $0xFFFFF000  }
0x3a: {  	[tilespmem:s15], [sflag:$0x1] =	stream.indirect.gather [hbm4b:s2+s10], $0x20, s14, s10, $0xb8;
	[tilespmem:$0x4C00] =	vst v63  }
0x3b: {  	_ =	swait.ge [sflag:s13], $0x1000  }
0x3c: {  	[sflag:s13] =	ssyncset.done $0x0  }
0x3d: {  	[sflag:s13] =	ssyncadd.s32 $0xFFFFF000  }
0x3e: {  	[tilespmem:s17], [sflag:$0x1] =	stream.indirect.gather [hbm4b:s2+s10], $0x20, s16, s10, $0xb8;
	[tilespmem:$0x4C00] =	vst v63  }
0x3f: {  	_ =	swait.ge [sflag:s13], $0x1000  }
0x40: {  	[sflag:s13] =	ssyncset.done $0x0  }
0x41: {  	[sflag:s13] =	ssyncadd.s32 $0xFFFFF000  }
0x42: {  	[tilespmem:s19], [sflag:$0x1] =	stream.indirect.gather [hbm4b:s2+s10], $0x20, s18, s10, $0xb8;
	[tilespmem:$0x4C00] =	vst v63  }
0x43: {  	s20 =	sadd.s32 $0x1, s20;
	_ =	swait.ge [sflag:s13], $0x1000  }
0x44: {  	p0 =	sne.s32 s20, s6;
	[sflag:s13] =	ssyncset.done $0x0  }
.Ltmp1:
0x45: {  	[sflag:s13] =	ssyncadd.s32 $0xFFFFF000;
	(pc) =	sbr.rel @p0 .LBB2_1-.Ltmp1, $4  }
0x46: {  	[hbm4b:s5+s3] =	stream.linear.scatter [tilespmem:s12], [sflag:$0x2], $0x4000, $0x38;
	[tilespmem:$0x4C00] =	vst v63  }
0x47: {  	_ =	swait.ge [sflag:s9], $0x4000  }
0x48: {  	[sflag:s9] =	ssyncset.done $0x0  }
0x49: {  	[sflag:s9] =	ssyncadd.s32 $0xFFFFC000  }
0x4a: {  	_ =	sfence.sel $0x180000  }
0x4b: {  	[bflag:$0x0] =	sbarrier.arrive $0xFFFF  }
0x4c: {  	p0 =	sne.s32 s1, $0x0;
	_ =	strace $0x90000047  }
0x4d: {  	s0 =	sadd.s32 @!p0 $0x100000, s0;
	[bflag:$0x2] =	sbarrier.arrive $0xFFFF  }
0x4e: {  	[sflag:s0] =	ssyncadd.tile.s32 @!p0 $0x1;
	_ =	shalt  }
.Lfunc_end2:
_tile_overlayer_lowered:
.L_overlay_start_2:
0x4f: {  	(tag) =	ssettag $0x2  }
0x50: {  	s0 =	rddreg [dreg:$0x0];
	s2 =	stileid.u32  }
0x51: {  	s1 =	rddreg [dreg:$0x1];
	p0 =	sne.s32 s2, $0x0  }
0x52: {  	s3 =	rddreg [dreg:$0x2];
	[bflag:$0x3] =	sbarrier.arrive $0xFFFF;
	s2 =	simm.s32 @!p0 $0x1C02  }
0x53: {  	[timem:s3], [sflag:s2] =	dma.local @!p0 [hbm:s0], s1  }
0x54: {  	s0 =	simm.s32 @!p0 $0x2  }
0x55: {  	_ =	swait.ge @!p0 [sflag:s0], s1  }
0x56: {  	s1 =	ssub.s32 @!p0 $0x0, s1;
	[sflag:s0] =	ssyncset.done @!p0 $0x0  }
0x57: {  	[sflag:s0] =	ssyncadd.s32 @!p0 s1  }
0x58: {  	[bflag:$0x3] =	sbarrier.arrive $0xFFFF  }
0x59: {  	_ =	shalt  }

</sc_bundles>
